<compile_context>
chip_gen: v7x
topology: tpu7x:2x2x1
jax: 0.10.2.dev20260603
libtpu: 0.0.44.dev20260713+nightly
codegen_flags: <defaults>
</compile_context>

<pallas_src>
import functools

import jax
import jax.numpy as jnp
from jax import lax
from jax.experimental import pallas as pl
from jax.experimental.pallas import tpu as pltpu
from jax.experimental.pallas import tpu_sc as plsc

_BLOCK = 16384
_CHUNK = 128
_TOPJ = 4
_MARGIN = 1e-3


def _ref_scores(vis, db):
    dots = lax.dot_general(
        vis, db, (((1,), (1,)), ((), ())),
        preferred_element_type=jnp.float32,
    )
    norm2 = lax.dot_general(
        jnp.ones((1, db.shape[1]), jnp.float32), db * db,
        (((1,), (1,)), ((), ())),
        preferred_element_type=jnp.float32,
    )
    return dots / jnp.sqrt(norm2)


def _phase1_body(vis_ref, db_ref, cmax_ref, *, block, n_db):
    i = pl.program_id(0)
    db = db_ref[...]
    dots_t = lax.dot_general(
        db, vis_ref[...], (((1,), (1,)), ((), ())),
        preferred_element_type=jnp.float32,
    )
    n2_t = lax.dot_general(
        db * db, jnp.ones((8, db.shape[1]), jnp.float32),
        (((1,), (1,)), ((), ())),
        preferred_element_type=jnp.float32,
    )
    scores = dots_t.T / jnp.sqrt(n2_t.T[0:1, :])
    col = i * block + lax.broadcasted_iota(jnp.int32, (1, block), 1)
    scores = jnp.where(col < n_db, scores, -jnp.inf)
    q = scores.shape[0]
    cmax_ref[...] = jnp.max(
        scores.reshape(q, block // _CHUNK, _CHUNK), axis=2)[None]


def _phase1(vis_n, train_db, block=_BLOCK, interpret=False):
    q, feat = vis_n.shape
    n_db = train_db.shape[0]
    grid = (n_db + block - 1) // block
    return pl.pallas_call(
        functools.partial(_phase1_body, block=block, n_db=n_db),
        grid=(grid,),
        in_specs=[
            pl.BlockSpec((q, feat), lambda i: (0, 0)),
            pl.BlockSpec((block, feat), lambda i: (i, 0)),
        ],
        out_specs=pl.BlockSpec((1, q, block // _CHUNK), lambda i: (i, 0, 0)),
        out_shape=jax.ShapeDtypeStruct((grid, q, block // _CHUNK),
                                       jnp.float32),
        interpret=interpret,
    )(vis_n, train_db)


def _select_body(cmax_ref, ids_ref, flag_ref):
    cm = cmax_ref[...]
    q, n_chunks = cm.shape
    col = lax.broadcasted_iota(jnp.int32, (q, n_chunks), 1)
    m0 = jnp.max(cm, axis=1, keepdims=True)
    for j in range(_TOPJ):
        idx = jnp.argmax(cm, axis=1).astype(jnp.int32)
        ids_ref[:, j] = idx
        cm = jnp.where(col == idx[:, None], -jnp.inf, cm)
    rem = jnp.max(cm, axis=1, keepdims=True)
    amb = jnp.max(jnp.where(rem >= m0 - 2.0 * _MARGIN, 1, 0))
    flag_ref[...] = jnp.full(flag_ref.shape, amb, jnp.int32)


def _select(cmax, interpret=False):
    q, n_chunks = cmax.shape
    return pl.pallas_call(
        _select_body,
        grid=(1,),
        in_specs=[pl.BlockSpec((q, n_chunks), lambda i: (0, 0))],
        out_specs=[
            pl.BlockSpec((q, _TOPJ), lambda i: (0, 0)),
            pl.BlockSpec((q, 1), lambda i: (0, 0)),
        ],
        out_shape=[
            jax.ShapeDtypeStruct((q, _TOPJ), jnp.int32),
            jax.ShapeDtypeStruct((q, 1), jnp.int32),
        ],
        interpret=interpret,
    )(cmax)


def _full_body(vis_ref, db_ref, out_ref, best_val, best_idx, *, block, n_db):
    i = pl.program_id(0)

    @pl.when(i == 0)
    def _init():
        best_val[...] = jnp.full(best_val.shape, -jnp.inf, jnp.float32)
        best_idx[...] = jnp.full(best_idx.shape, jnp.int32(2147483647))

    scores = _ref_scores(vis_ref[...], db_ref[...])
    base = i * block
    col = base + lax.broadcasted_iota(jnp.int32, (1, block), 1)
    scores = jnp.where(col < n_db, scores, -jnp.inf)
    loc_max = jnp.max(scores, axis=1, keepdims=True)
    loc_arg = (base + jnp.argmax(scores, axis=1).astype(jnp.int32))[:, None]
    better = (loc_max > best_val[...]) | (
        (loc_max == best_val[...]) & (loc_arg < best_idx[...]))
    best_val[...] = jnp.where(better, loc_max, best_val[...])
    best_idx[...] = jnp.where(better, loc_arg, best_idx[...])
    out_ref[...] = best_idx[...]


def _full(vis, train_db, block=8192, interpret=False):
    q, feat = vis.shape
    n_db = train_db.shape[0]
    grid = (n_db + block - 1) // block
    return pl.pallas_call(
        functools.partial(_full_body, block=block, n_db=n_db),
        grid=(grid,),
        in_specs=[
            pl.BlockSpec((q, feat), lambda i: (0, 0)),
            pl.BlockSpec((block, feat), lambda i: (i, 0)),
        ],
        out_specs=pl.BlockSpec((q, 1), lambda i: (0, 0)),
        out_shape=jax.ShapeDtypeStruct((q, 1), jnp.int32),
        scratch_shapes=[
            pltpu.VMEM((q, 1), jnp.float32),
            pltpu.VMEM((q, 1), jnp.int32),
        ],
        interpret=interpret,
    )(vis, train_db)


def _gather_captions(lang_ids, best):
    n = best.shape[0]
    mesh = plsc.VectorSubcoreMesh(core_axis_name="c", subcore_axis_name="s")

    @functools.partial(
        pl.kernel,
        mesh=mesh,
        out_type=jax.ShapeDtypeStruct((n,), lang_ids.dtype),
        scratch_types=[
            pltpu.VMEM((n,), jnp.int32),
            pltpu.VMEM((n,), lang_ids.dtype),
            pltpu.SemaphoreType.DMA,
        ],
    )
    def k(lang_hbm, idx_hbm, out_hbm, idx_v, vals_v, sem):
        first = (lax.axis_index("c") == 0) & (lax.axis_index("s") == 0)

        @pl.when(first)
        def _():
            pltpu.sync_copy(idx_hbm, idx_v)
            pltpu.async_copy(lang_hbm.at[idx_v], vals_v, sem).wait()
            pltpu.sync_copy(vals_v, out_hbm)

    return k(lang_ids, best)


def _refine(ids2d, vis, train_db):
    q = vis.shape[0]
    n_db = train_db.shape[0]
    rows = (ids2d[:, :, None] * _CHUNK
            + jnp.arange(_CHUNK, dtype=jnp.int32)[None, None, :]).reshape(-1)
    valid = rows < n_db
    rows_c = jnp.minimum(rows, n_db - 1)
    db_c = train_db[rows_c]
    qn = jnp.linalg.norm(vis, axis=1, keepdims=True)
    s = (vis @ db_c.T) / (qn * jnp.linalg.norm(db_c, axis=1)[None, :])
    s = jnp.where(valid[None, :], s, -jnp.inf)
    per_q = _TOPJ * _CHUNK
    s_own = s.reshape(q, q, per_q)[jnp.arange(q), jnp.arange(q)]
    cand = jnp.where(valid, rows, jnp.int32(2147483647)).reshape(q, per_q)
    best_s = jnp.max(s_own, axis=1, keepdims=True)
    win = jnp.min(jnp.where(s_own == best_s, cand, jnp.int32(2147483647)),
                  axis=1)
    return win[:, None]


def _best_index(vis, train_db, interpret=False):
    q = vis.shape[0]
    vis_n = vis / jnp.linalg.norm(vis, axis=1, keepdims=True)
    cmax3 = _phase1(vis_n, train_db, interpret=interpret)
    cmax = cmax3.transpose(1, 0, 2).reshape(q, -1)
    ids2d, flag2d = _select(cmax, interpret=interpret)
    return lax.cond(
        flag2d[0, 0] > 0,
        lambda: _full(vis, train_db, interpret=interpret),
        lambda: _refine(ids2d, vis, train_db),
    )


def kernel(t_feat, train_db, lang_ids):
    vis = t_feat[:, :-4]
    best = _best_index(vis, train_db).reshape(-1)
    return _gather_captions(lang_ids, best)

# --- scband reference (transcript-rebuilt; emitter-appended) ---
"""Pipeline reference for scband-retrieval2-d-53558242181150 (READ-ONLY COPY).

The authoritative reference and input builder live on the scoring server;
editing this copy changes nothing except your own understanding.
"""

import jax, jax.numpy as jnp
import numpy as np

N_DB = 1000000
FEAT = 128
Q = 32

def setup_inputs(seed: int = 0) -> dict:
    key = jax.random.key(seed)
    k1, k2, k3 = jax.random.split(key, 3)
    # t_feat carries feat_size + 4 columns; the module slices off the last 4
    t_feat = jax.random.normal(k1, (Q, FEAT + 4), dtype=jnp.float32)
    # train_db is the memmapped database (n_repeats, feat_size) built from vis_feat_dict
    train_db = jax.random.normal(k2, (N_DB, FEAT), dtype=jnp.float32)
    # lang_ids maps a retrieved sample id to a caption id (integer surrogate for string captions)
    lang_ids = jax.random.randint(k3, (N_DB,), 0, 32000, dtype=jnp.int64)
    return {"t_feat": t_feat, "train_db": train_db, "lang_ids": lang_ids}

def reference(t_feat, train_db, lang_ids):
    # vis_feats = data_dict['t_feat'][:, :-4]
    vis = t_feat[:, :-4]
    # cosine similarity of every query against the full train memory map
    # (the torch module does this per-row with repeat + einsum; batched here, same math)
    q_norm = jnp.linalg.norm(vis, axis=1, keepdims=True)          # [Q, 1]
    db_norm = jnp.linalg.norm(train_db, axis=1)                    # [K]
    sims = (vis @ train_db.T) / (q_norm * db_norm[None, :])        # [Q, K]
    best = jnp.argmax(sims, axis=1)                                # [Q]
    # caption = self.lang_ids[sample_id]
    captions = jnp.take(lang_ids, best)                            # [Q]
    return captions

if __name__ == "__main__":
    import jax
    _d = setup_inputs()
    print(jax.jit(kernel)(*tuple(_d.values())))

</pallas_src>

<mosaic_0001>
#map = affine_map<(d0, d1) -> (0)>
module attributes {stable_mosaic.version = 14 : i64} {
  func.func @k(%arg0: i32, %arg1: i32, %arg2: memref<1000000xi32, #tpu.memory_space<hbm>>, %arg3: memref<32xi32, #tpu.memory_space<hbm>>, %arg4: memref<32xi32, #tpu.memory_space<hbm>>, %arg5: memref<32xi32, #tpu.memory_space<vmem>>, %arg6: memref<32xi32, #tpu.memory_space<vmem>>, %arg7: memref<!tpu.dma_semaphore, #tpu.memory_space<semaphore_mem>>) attributes {dimension_semantics = [#tpu.dimension_semantics<core_parallel>, #tpu.dimension_semantics<subcore_parallel>], iteration_bounds = array<i64: 2, 16>, scalar_prefetch = 0 : i64, scratch_operands = 3 : i64, tpu.core_type = #tpu.core_type<sc_vector_subcore>, window_params = [{transform_indices = #map}, {transform_indices = #map}, {transform_indices = #map}]} {
    %eq3A = arith.constant 0 : i32
    %eq3A_0 = arith.cmpi eq, %arg0, %eq3A : i32
    %eq3A_1 = arith.constant 0 : i32
    %eq3A_2 = arith.cmpi eq, %arg1, %eq3A_1 : i32
    %and3A = arith.andi %eq3A_0, %eq3A_2 : i1
    %convert_element_type3A = arith.extui %and3A : i1 to i32
    %cond3A = arith.constant 0 : i32
    %cond3A_3 = arith.cmpi ne, %convert_element_type3A, %cond3A : i32
    scf.if %cond3A_3 {
      "tpu.region"() ({
        %run_scoped3A = tpu.sem_alloc : memref<!tpu.dma_semaphore, #tpu.memory_space<semaphore_mem>>
        tpu.enqueue_dma source(%arg3 : memref<32xi32, #tpu.memory_space<hbm>>) target(%arg5 : memref<32xi32, #tpu.memory_space<vmem>>) target_semaphore(%run_scoped3A : memref<!tpu.dma_semaphore, #tpu.memory_space<semaphore_mem>>)
        tpu.wait_dma2 semaphore(%run_scoped3A : memref<!tpu.dma_semaphore, #tpu.memory_space<semaphore_mem>>) src(%arg3 : memref<32xi32, #tpu.memory_space<hbm>>) dst(%arg5 : memref<32xi32, #tpu.memory_space<vmem>>)
        tpu.yield
      }) : () -> ()
      %dma_start3A = arith.constant 0 : i32
      %dma_start3A_4 = tpu.memref_slice %arg2[%dma_start3A] : memref<1000000xi32, #tpu.memory_space<hbm>> -> memref<1000000xi32, #tpu.memory_space<hbm>>
      tpu.enqueue_indirect_dma source(%dma_start3A_4 : memref<1000000xi32, #tpu.memory_space<hbm>>) target(%arg6 : memref<32xi32, #tpu.memory_space<vmem>>) offsets(%arg5 : memref<32xi32, #tpu.memory_space<vmem>>) semaphore(%arg7 : memref<!tpu.dma_semaphore, #tpu.memory_space<semaphore_mem>>)
      %dma_wait3A = arith.constant 0 : i32
      %dma_wait3A_5 = tpu.memref_slice %arg2[%dma_wait3A] : memref<1000000xi32, #tpu.memory_space<hbm>> -> memref<1000000xi32, #tpu.memory_space<hbm>>
      tpu.wait_indirect_dma semaphore(%arg7 : memref<!tpu.dma_semaphore, #tpu.memory_space<semaphore_mem>>) src(%dma_wait3A_5 : memref<1000000xi32, #tpu.memory_space<hbm>>) dst(%arg6 : memref<32xi32, #tpu.memory_space<vmem>>)
      "tpu.region"() ({
        %run_scoped3A = tpu.sem_alloc : memref<!tpu.dma_semaphore, #tpu.memory_space<semaphore_mem>>
        tpu.enqueue_dma source(%arg6 : memref<32xi32, #tpu.memory_space<vmem>>) target(%arg4 : memref<32xi32, #tpu.memory_space<hbm>>) target_semaphore(%run_scoped3A : memref<!tpu.dma_semaphore, #tpu.memory_space<semaphore_mem>>)
        tpu.wait_dma2 semaphore(%run_scoped3A : memref<!tpu.dma_semaphore, #tpu.memory_space<semaphore_mem>>) src(%arg6 : memref<32xi32, #tpu.memory_space<vmem>>) dst(%arg4 : memref<32xi32, #tpu.memory_space<hbm>>)
        tpu.yield
      }) : () -> ()
    } else {
    }
    return
  }
}

module attributes {stable_mosaic.version = 14 : i64} {
  func.func @_phase1_body(%arg0: i32, %arg1: memref<32x128xf32, #tpu.memory_space<vmem>>, %arg2: memref<16384x128xf32, #tpu.memory_space<vmem>>, %arg3: memref<1x32x128xf32, #tpu.memory_space<vmem>>) attributes {dimension_semantics = [#tpu.dimension_semantics<arbitrary>], iteration_bounds = array<i64: 62>, scalar_prefetch = 0 : i64, scratch_operands = 0 : i64, tpu.core_type = #tpu.core_type<tc>, window_params = [{pipeline_mode = #tpu.pipeline_mode<synchronous>, transform_indices = @transform_0, window_bounds = array<i64: 32, 128>}, {transform_indices = @transform_1, window_bounds = array<i64: 16384, 128>}, {transform_indices = @transform_2, window_bounds = array<i64: 1, 32, 128>}]} {
    %get3A = arith.constant 0 : index
    %get3A_0 = arith.constant 0 : index
    %get3A_1 = vector.load %arg2[%get3A, %get3A_0] : memref<16384x128xf32, #tpu.memory_space<vmem>>, vector<16384x128xf32>
    %get3A_2 = arith.constant 0 : index
    %get3A_3 = arith.constant 0 : index
    %get3A_4 = vector.load %arg1[%get3A_2, %get3A_3] : memref<32x128xf32, #tpu.memory_space<vmem>>, vector<32x128xf32>
    %dot_general3A = arith.constant dense<0.000000e+00> : vector<16384x32xf32>
    %dot_general3A_5 = tpu.matmul %get3A_1, %get3A_4, %dot_general3A {dimension_numbers = #tpu.dot_dimension_numbers<[1], [1], [0], [0], [0, 0, 1, 0], [], []>, transpose_lhs_hint = false} : vector<16384x128xf32>, vector<32x128xf32>, vector<16384x32xf32> -> vector<16384x32xf32>
    %mul3A = arith.mulf %get3A_1, %get3A_1 : vector<16384x128xf32>
    %broadcast_in_dim3A = arith.constant 1.000000e+00 : f32
    %broadcast_in_dim3A_6 = vector.broadcast %broadcast_in_dim3A : f32 to vector<8x128xf32>
    %dot_general3A_7 = arith.constant dense<0.000000e+00> : vector<16384x8xf32>
    %dot_general3A_8 = tpu.matmul %mul3A, %broadcast_in_dim3A_6, %dot_general3A_7 {dimension_numbers = #tpu.dot_dimension_numbers<[1], [1], [0], [0], [0, 0, 1, 0], [], []>, transpose_lhs_hint = false} : vector<16384x128xf32>, vector<8x128xf32>, vector<16384x8xf32> -> vector<16384x8xf32>
    %transpose3A = tpu.transpose %dot_general3A_5, [1, 0] : vector<16384x32xf32> -> vector<32x16384xf32>
    %transpose3A_9 = tpu.transpose %dot_general3A_8, [1, 0] : vector<16384x8xf32> -> vector<8x16384xf32>
    %slice3A = vector.extract_strided_slice %transpose3A_9 {offsets = [0, 0], sizes = [1, 16384], strides = [1, 1]} : vector<8x16384xf32> to vector<1x16384xf32>
    %sqrt3A = math.sqrt %slice3A : vector<1x16384xf32>
    %div3A = vector.broadcast %sqrt3A : vector<1x16384xf32> to vector<32x16384xf32>
    %div3A_10 = arith.divf %transpose3A, %div3A : vector<32x16384xf32>
    %mul3A_11 = arith.constant 16384 : i32
    %mul3A_12 = arith.muli %arg0, %mul3A_11 : i32
    %iota3A = tpu.iota {dimensions = array<i32: 1>} : vector<1x16384xi32>
    %add3A = vector.broadcast %mul3A_12 : i32 to vector<1x16384xi32>
    %add3A_13 = arith.addi %add3A, %iota3A : vector<1x16384xi32>
    %lt3A = arith.constant 1000000 : i32
    %lt3A_14 = vector.broadcast %lt3A : i32 to vector<1x16384xi32>
    %lt3A_15 = arith.cmpi slt, %add3A_13, %lt3A_14 : vector<1x16384xi32>
    %jit3A = arith.constant 0xFF800000 : f32
    %broadcast_in_dim3A_16 = vector.shape_cast %lt3A_15 : vector<1x16384xi1> to vector<1x16384xi1>
    %broadcast_in_dim3A_17 = vector.broadcast %broadcast_in_dim3A_16 : vector<1x16384xi1> to vector<32x16384xi1>
    %broadcast_in_dim3A_18 = vector.broadcast %jit3A : f32 to vector<32x16384xf32>
    %select_n3A = arith.select %broadcast_in_dim3A_17, %div3A_10, %broadcast_in_dim3A_18 : vector<32x16384xi1>, vector<32x16384xf32>
    %reshape3A = vector.shape_cast %select_n3A : vector<32x16384xf32> to vector<32x128x128xf32>
    %reduce_max3A = arith.constant dense<0xFF800000> : vector<32x128xf32>
    %reduce_max3A_19 = vector.multi_reduction <maximumf>, %reshape3A, %reduce_max3A [2] : vector<32x128x128xf32> to vector<32x128xf32>
    %broadcast_in_dim3A_20 = vector.shape_cast %reduce_max3A_19 : vector<32x128xf32> to vector<1x32x128xf32>
    %swap3A = arith.constant 0 : index
    %swap3A_21 = arith.constant 0 : index
    %swap3A_22 = arith.constant 0 : index
    %swap3A_23 = vector.load %arg3[%swap3A, %swap3A_21, %swap3A_22] : memref<1x32x128xf32, #tpu.memory_space<vmem>>, vector<1x32x128xf32>
    tpu.vector_store %arg3[%swap3A, %swap3A_21, %swap3A_22], %broadcast_in_dim3A_20 {strides = array<i32>} : memref<1x32x128xf32, #tpu.memory_space<vmem>>, vector<1x32x128xf32>,
    return
  }
  func.func @transform_0(%arg0: i32) -> (i32, i32) {
    %c0_i32 = arith.constant 0 : i32
    %c0_i32_0 = arith.constant 0 : i32
    %c0_i32_1 = arith.constant 0 : i32
    return %c0_i32, %c0_i32_0 : i32, i32
  }
  func.func @transform_1(%arg0: i32) -> (i32, i32) {
    %c0_i32 = arith.constant 0 : i32
    %c0_i32_0 = arith.constant 0 : i32
    return %arg0, %c0_i32 : i32, i32
  }
  func.func @transform_2(%arg0: i32) -> (i32, i32, i32) {
    %c0_i32 = arith.constant 0 : i32
    %c0_i32_0 = arith.constant 0 : i32
    %c0_i32_1 = arith.constant 0 : i32
    return %arg0, %c0_i32, %c0_i32_0 : i32, i32, i32
  }
}

module attributes {stable_mosaic.version = 14 : i64} {
  func.func @_select_body(%arg0: i32, %arg1: memref<32x7936xf32, #tpu.memory_space<vmem>>, %arg2: memref<32x4xi32, #tpu.memory_space<vmem>>, %arg3: memref<32x1xi32, #tpu.memory_space<vmem>>) attributes {dimension_semantics = [#tpu.dimension_semantics<arbitrary>], iteration_bounds = array<i64: 1>, scalar_prefetch = 0 : i64, scratch_operands = 0 : i64, tpu.core_type = #tpu.core_type<tc>, window_params = [{pipeline_mode = #tpu.pipeline_mode<synchronous>, transform_indices = @transform_0, window_bounds = array<i64: 32, 7936>}, {pipeline_mode = #tpu.pipeline_mode<synchronous>, transform_indices = @transform_1, window_bounds = array<i64: 32, 4>}, {pipeline_mode = #tpu.pipeline_mode<synchronous>, transform_indices = @transform_2, window_bounds = array<i64: 32, 1>}]} {
    %get3A = arith.constant 0 : index
    %get3A_0 = arith.constant 0 : index
    %get3A_1 = vector.load %arg1[%get3A, %get3A_0] : memref<32x7936xf32, #tpu.memory_space<vmem>>, vector<32x7936xf32>
    %iota3A = tpu.iota {dimensions = array<i32: 1>} : vector<32x7936xi32>
    %reduce_max3A = arith.constant dense<0xFF800000> : vector<32xf32>
    %reduce_max3A_2 = vector.multi_reduction <maximumf>, %get3A_1, %reduce_max3A [1] : vector<32x7936xf32> to vector<32xf32>
    %broadcast_in_dim3A = vector.shape_cast %reduce_max3A_2 : vector<32xf32> to vector<32x1xf32>
    %argmax3A = tpu.reduce_index %get3A_1 {axis = 1 : i32, kind = #tpu.reduction_kind<arg_max>} : vector<32x7936xf32> -> vector<32xi32>
    %swap3A = arith.constant 0 : index
    %swap3A_3 = arith.constant 0 : index
    %swap3A_4 = vector.load %arg2[%swap3A, %swap3A_3] : memref<32x4xi32, #tpu.memory_space<vmem>>, vector<32x1xi32>
    %swap3A_5 = vector.shape_cast %swap3A_4 : vector<32x1xi32> to vector<32xi32>
    %swap3A_6 = vector.shape_cast %argmax3A : vector<32xi32> to vector<32x1xi32>
    tpu.vector_store %arg2[%swap3A, %swap3A_3], %swap3A_6 {strides = array<i32>} : memref<32x4xi32, #tpu.memory_space<vmem>>, vector<32x1xi32>,
    %broadcast_in_dim3A_7 = vector.shape_cast %argmax3A : vector<32xi32> to vector<32x1xi32>
    %eq3A = vector.broadcast %broadcast_in_dim3A_7 : vector<32x1xi32> to vector<32x7936xi32>
    %eq3A_8 = arith.cmpi eq, %iota3A, %eq3A : vector<32x7936xi32>
    %jit3A = arith.constant 0xFF800000 : f32
    %broadcast_in_dim3A_9 = vector.broadcast %jit3A : f32 to vector<32x7936xf32>
    %select_n3A = arith.select %eq3A_8, %broadcast_in_dim3A_9, %get3A_1 : vector<32x7936xi1>, vector<32x7936xf32>
    %argmax3A_10 = tpu.reduce_index %select_n3A {axis = 1 : i32, kind = #tpu.reduction_kind<arg_max>} : vector<32x7936xf32> -> vector<32xi32>
    %swap3A_11 = arith.constant 0 : index
    %swap3A_12 = arith.constant 1 : index
    %swap3A_13 = vector.load %arg2[%swap3A_11, %swap3A_12] : memref<32x4xi32, #tpu.memory_space<vmem>>, vector<32x1xi32>
    %swap3A_14 = vector.shape_cast %swap3A_13 : vector<32x1xi32> to vector<32xi32>
    %swap3A_15 = vector.shape_cast %argmax3A_10 : vector<32xi32> to vector<32x1xi32>
    tpu.vector_store %arg2[%swap3A_11, %swap3A_12], %swap3A_15 {strides = array<i32>} : memref<32x4xi32, #tpu.memory_space<vmem>>, vector<32x1xi32>,
    %broadcast_in_dim3A_16 = vector.shape_cast %argmax3A_10 : vector<32xi32> to vector<32x1xi32>
    %eq3A_17 = vector.broadcast %broadcast_in_dim3A_16 : vector<32x1xi32> to vector<32x7936xi32>
    %eq3A_18 = arith.cmpi eq, %iota3A, %eq3A_17 : vector<32x7936xi32>
    %jit3A_19 = arith.constant 0xFF800000 : f32
    %broadcast_in_dim3A_20 = vector.broadcast %jit3A_19 : f32 to vector<32x7936xf32>
    %select_n3A_21 = arith.select %eq3A_18, %broadcast_in_dim3A_20, %select_n3A : vector<32x7936xi1>, vector<32x7936xf32>
    %argmax3A_22 = tpu.reduce_index %select_n3A_21 {axis = 1 : i32, kind = #tpu.reduction_kind<arg_max>} : vector<32x7936xf32> -> vector<32xi32>
    %swap3A_23 = arith.constant 0 : index
    %swap3A_24 = arith.constant 2 : index
    %swap3A_25 = vector.load %arg2[%swap3A_23, %swap3A_24] : memref<32x4xi32, #tpu.memory_space<vmem>>, vector<32x1xi32>
    %swap3A_26 = vector.shape_cast %swap3A_25 : vector<32x1xi32> to vector<32xi32>
    %swap3A_27 = vector.shape_cast %argmax3A_22 : vector<32xi32> to vector<32x1xi32>
    tpu.vector_store %arg2[%swap3A_23, %swap3A_24], %swap3A_27 {strides = array<i32>} : memref<32x4xi32, #tpu.memory_space<vmem>>, vector<32x1xi32>,
    %broadcast_in_dim3A_28 = vector.shape_cast %argmax3A_22 : vector<32xi32> to vector<32x1xi32>
    %eq3A_29 = vector.broadcast %broadcast_in_dim3A_28 : vector<32x1xi32> to vector<32x7936xi32>
    %eq3A_30 = arith.cmpi eq, %iota3A, %eq3A_29 : vector<32x7936xi32>
    %jit3A_31 = arith.constant 0xFF800000 : f32
    %broadcast_in_dim3A_32 = vector.broadcast %jit3A_31 : f32 to vector<32x7936xf32>
    %select_n3A_33 = arith.select %eq3A_30, %broadcast_in_dim3A_32, %select_n3A_21 : vector<32x7936xi1>, vector<32x7936xf32>
    %argmax3A_34 = tpu.reduce_index %select_n3A_33 {axis = 1 : i32, kind = #tpu.reduction_kind<arg_max>} : vector<32x7936xf32> -> vector<32xi32>
    %swap3A_35 = arith.constant 0 : index
    %swap3A_36 = arith.constant 3 : index
    %swap3A_37 = vector.load %arg2[%swap3A_35, %swap3A_36] : memref<32x4xi32, #tpu.memory_space<vmem>>, vector<32x1xi32>
    %swap3A_38 = vector.shape_cast %swap3A_37 : vector<32x1xi32> to vector<32xi32>
    %swap3A_39 = vector.shape_cast %argmax3A_34 : vector<32xi32> to vector<32x1xi32>
    tpu.vector_store %arg2[%swap3A_35, %swap3A_36], %swap3A_39 {strides = array<i32>} : memref<32x4xi32, #tpu.memory_space<vmem>>, vector<32x1xi32>,
    %broadcast_in_dim3A_40 = vector.shape_cast %argmax3A_34 : vector<32xi32> to vector<32x1xi32>
    %eq3A_41 = vector.broadcast %broadcast_in_dim3A_40 : vector<32x1xi32> to vector<32x7936xi32>
    %eq3A_42 = arith.cmpi eq, %iota3A, %eq3A_41 : vector<32x7936xi32>
    %jit3A_43 = arith.constant 0xFF800000 : f32
    %broadcast_in_dim3A_44 = vector.broadcast %jit3A_43 : f32 to vector<32x7936xf32>
    %select_n3A_45 = arith.select %eq3A_42, %broadcast_in_dim3A_44, %select_n3A_33 : vector<32x7936xi1>, vector<32x7936xf32>
    %reduce_max3A_46 = arith.constant dense<0xFF800000> : vector<32xf32>
    %reduce_max3A_47 = vector.multi_reduction <maximumf>, %select_n3A_45, %reduce_max3A_46 [1] : vector<32x7936xf32> to vector<32xf32>
    %broadcast_in_dim3A_48 = vector.shape_cast %reduce_max3A_47 : vector<32xf32> to vector<32x1xf32>
    %sub3A = arith.constant 2.000000e-03 : f32
    %sub3A_49 = vector.broadcast %sub3A : f32 to vector<32x1xf32>
    %sub3A_50 = arith.subf %broadcast_in_dim3A, %sub3A_49 : vector<32x1xf32>
    %ge3A = arith.cmpf oge, %broadcast_in_dim3A_48, %sub3A_50 : vector<32x1xf32>
    %jit3A_51 = arith.constant 1 : i32
    %jit3A_52 = arith.constant 0 : i32
    %broadcast_in_dim3A_53 = vector.broadcast %jit3A_51 : i32 to vector<32x1xi32>
    %broadcast_in_dim3A_54 = vector.broadcast %jit3A_52 : i32 to vector<32x1xi32>
    %select_n3A_55 = arith.select %ge3A, %broadcast_in_dim3A_53, %broadcast_in_dim3A_54 : vector<32x1xi1>, vector<32x1xi32>
    %reduce_max3A_56 = vector.shape_cast %select_n3A_55 : vector<32x1xi32> to vector<1x32x1xi32>
    %reduce_max3A_57 = arith.constant dense<-2147483648> : vector<1xi32>
    %reduce_max3A_58 = vector.multi_reduction <maxsi>, %reduce_max3A_56, %reduce_max3A_57 [1, 2] : vector<1x32x1xi32> to vector<1xi32>
    %reduce_max3A_59 = vector.shape_cast %reduce_max3A_58 : vector<1xi32> to vector<1x1x1xi32>
    %reduce_max3A_60 = vector.extract %reduce_max3A_59[0, 0, 0] : i32 from vector<1x1x1xi32>
    %broadcast_in_dim3A_61 = vector.broadcast %reduce_max3A_60 : i32 to vector<32x1xi32>
    %swap3A_62 = arith.constant 0 : index
    %swap3A_63 = arith.constant 0 : index
    %swap3A_64 = vector.load %arg3[%swap3A_62, %swap3A_63] : memref<32x1xi32, #tpu.memory_space<vmem>>, vector<32x1xi32>
    tpu.vector_store %arg3[%swap3A_62, %swap3A_63], %broadcast_in_dim3A_61 {strides = array<i32>} : memref<32x1xi32, #tpu.memory_space<vmem>>, vector<32x1xi32>,
    return
  }
  func.func @transform_0(%arg0: i32) -> (i32, i32) {
    %c0_i32 = arith.constant 0 : i32
    %c0_i32_0 = arith.constant 0 : i32
    %c0_i32_1 = arith.constant 0 : i32
    return %c0_i32, %c0_i32_0 : i32, i32
  }
  func.func @transform_1(%arg0: i32) -> (i32, i32) {
    %c0_i32 = arith.constant 0 : i32
    %c0_i32_0 = arith.constant 0 : i32
    %c0_i32_1 = arith.constant 0 : i32
    return %c0_i32, %c0_i32_0 : i32, i32
  }
  func.func @transform_2(%arg0: i32) -> (i32, i32) {
    %c0_i32 = arith.constant 0 : i32
    %c0_i32_0 = arith.constant 0 : i32
    %c0_i32_1 = arith.constant 0 : i32
    return %c0_i32, %c0_i32_0 : i32, i32
  }
}

module attributes {stable_mosaic.version = 14 : i64} {
  func.func @_full_body(%arg0: i32, %arg1: memref<32x128xf32, #tpu.memory_space<vmem>>, %arg2: memref<8192x128xf32, #tpu.memory_space<vmem>>, %arg3: memref<32x1xi32, #tpu.memory_space<vmem>>, %arg4: memref<32x1xf32, #tpu.memory_space<vmem>>, %arg5: memref<32x1xi32, #tpu.memory_space<vmem>>) attributes {dimension_semantics = [#tpu.dimension_semantics<arbitrary>], iteration_bounds = array<i64: 123>, scalar_prefetch = 0 : i64, scratch_operands = 2 : i64, tpu.core_type = #tpu.core_type<tc>, window_params = [{pipeline_mode = #tpu.pipeline_mode<synchronous>, transform_indices = @transform_0, window_bounds = array<i64: 32, 128>}, {transform_indices = @transform_1, window_bounds = array<i64: 8192, 128>}, {pipeline_mode = #tpu.pipeline_mode<synchronous>, transform_indices = @transform_2, window_bounds = array<i64: 32, 1>}]} {
    %eq3A = arith.constant 0 : i32
    %eq3A_0 = arith.cmpi eq, %arg0, %eq3A : i32
    %convert_element_type3A = arith.extui %eq3A_0 : i1 to i32
    %cond3A = arith.constant 0 : i32
    %cond3A_1 = arith.cmpi ne, %convert_element_type3A, %cond3A : i32
    scf.if %cond3A_1 {
      %broadcast_in_dim3A_55 = arith.constant 0xFF800000 : f32
      %broadcast_in_dim3A_56 = vector.broadcast %broadcast_in_dim3A_55 : f32 to vector<32x1xf32>
      %swap3A_57 = arith.constant 0 : index
      %swap3A_58 = arith.constant 0 : index
      %swap3A_59 = vector.load %arg4[%swap3A_57, %swap3A_58] : memref<32x1xf32, #tpu.memory_space<vmem>>, vector<32x1xf32>
      tpu.vector_store %arg4[%swap3A_57, %swap3A_58], %broadcast_in_dim3A_56 {strides = array<i32>} : memref<32x1xf32, #tpu.memory_space<vmem>>, vector<32x1xf32>,
      %broadcast_in_dim3A_60 = arith.constant 2147483647 : i32
      %broadcast_in_dim3A_61 = vector.broadcast %broadcast_in_dim3A_60 : i32 to vector<32x1xi32>
      %swap3A_62 = arith.constant 0 : index
      %swap3A_63 = arith.constant 0 : index
      %swap3A_64 = vector.load %arg5[%swap3A_62, %swap3A_63] : memref<32x1xi32, #tpu.memory_space<vmem>>, vector<32x1xi32>
      tpu.vector_store %arg5[%swap3A_62, %swap3A_63], %broadcast_in_dim3A_61 {strides = array<i32>} : memref<32x1xi32, #tpu.memory_space<vmem>>, vector<32x1xi32>,
    } else {
    }
    %get3A = arith.constant 0 : index
    %get3A_2 = arith.constant 0 : index
    %get3A_3 = vector.load %arg1[%get3A, %get3A_2] : memref<32x128xf32, #tpu.memory_space<vmem>>, vector<32x128xf32>
    %get3A_4 = arith.constant 0 : index
    %get3A_5 = arith.constant 0 : index
    %get3A_6 = vector.load %arg2[%get3A_4, %get3A_5] : memref<8192x128xf32, #tpu.memory_space<vmem>>, vector<8192x128xf32>
    %dot_general3A = arith.constant dense<0.000000e+00> : vector<32x8192xf32>
    %dot_general3A_7 = tpu.matmul %get3A_3, %get3A_6, %dot_general3A {dimension_numbers = #tpu.dot_dimension_numbers<[1], [1], [0], [0], [0, 0, 1, 0], [], []>, transpose_lhs_hint = false} : vector<32x128xf32>, vector<8192x128xf32>, vector<32x8192xf32> -> vector<32x8192xf32>
    %broadcast_in_dim3A = arith.constant 1.000000e+00 : f32
    %broadcast_in_dim3A_8 = vector.broadcast %broadcast_in_dim3A : f32 to vector<1x128xf32>
    %mul3A = arith.mulf %get3A_6, %get3A_6 : vector<8192x128xf32>
    %dot_general3A_9 = arith.constant dense<0.000000e+00> : vector<1x8192xf32>
    %dot_general3A_10 = tpu.matmul %broadcast_in_dim3A_8, %mul3A, %dot_general3A_9 {dimension_numbers = #tpu.dot_dimension_numbers<[1], [1], [0], [0], [0, 0, 1, 0], [], []>, transpose_lhs_hint = false} : vector<1x128xf32>, vector<8192x128xf32>, vector<1x8192xf32> -> vector<1x8192xf32>
    %sqrt3A = math.sqrt %dot_general3A_10 : vector<1x8192xf32>
    %div3A = vector.broadcast %sqrt3A : vector<1x8192xf32> to vector<32x8192xf32>
    %div3A_11 = arith.divf %dot_general3A_7, %div3A : vector<32x8192xf32>
    %mul3A_12 = arith.constant 8192 : i32
    %mul3A_13 = arith.muli %arg0, %mul3A_12 : i32
    %iota3A = tpu.iota {dimensions = array<i32: 1>} : vector<1x8192xi32>
    %add3A = vector.broadcast %mul3A_13 : i32 to vector<1x8192xi32>
    %add3A_14 = arith.addi %add3A, %iota3A : vector<1x8192xi32>
    %lt3A = arith.constant 1000000 : i32
    %lt3A_15 = vector.broadcast %lt3A : i32 to vector<1x8192xi32>
    %lt3A_16 = arith.cmpi slt, %add3A_14, %lt3A_15 : vector<1x8192xi32>
    %jit3A = arith.constant 0xFF800000 : f32
    %broadcast_in_dim3A_17 = vector.shape_cast %lt3A_16 : vector<1x8192xi1> to vector<1x8192xi1>
    %broadcast_in_dim3A_18 = vector.broadcast %broadcast_in_dim3A_17 : vector<1x8192xi1> to vector<32x8192xi1>
    %broadcast_in_dim3A_19 = vector.broadcast %jit3A : f32 to vector<32x8192xf32>
    %select_n3A = arith.select %broadcast_in_dim3A_18, %div3A_11, %broadcast_in_dim3A_19 : vector<32x8192xi1>, vector<32x8192xf32>
    %reduce_max3A = arith.constant dense<0xFF800000> : vector<32xf32>
    %reduce_max3A_20 = vector.multi_reduction <maximumf>, %select_n3A, %reduce_max3A [1] : vector<32x8192xf32> to vector<32xf32>
    %broadcast_in_dim3A_21 = vector.shape_cast %reduce_max3A_20 : vector<32xf32> to vector<32x1xf32>
    %argmax3A = tpu.reduce_index %select_n3A {axis = 1 : i32, kind = #tpu.reduction_kind<arg_max>} : vector<32x8192xf32> -> vector<32xi32>
    %add3A_22 = vector.broadcast %mul3A_13 : i32 to vector<32xi32>
    %add3A_23 = arith.addi %add3A_22, %argmax3A : vector<32xi32>
    %broadcast_in_dim3A_24 = vector.shape_cast %add3A_23 : vector<32xi32> to vector<32x1xi32>
    %get3A_25 = arith.constant 0 : index
    %get3A_26 = arith.constant 0 : index
    %get3A_27 = vector.load %arg4[%get3A_25, %get3A_26] : memref<32x1xf32, #tpu.memory_space<vmem>>, vector<32x1xf32>
    %gt3A = arith.cmpf ogt, %broadcast_in_dim3A_21, %get3A_27 : vector<32x1xf32>
    %get3A_28 = arith.constant 0 : index
    %get3A_29 = arith.constant 0 : index
    %get3A_30 = vector.load %arg4[%get3A_28, %get3A_29] : memref<32x1xf32, #tpu.memory_space<vmem>>, vector<32x1xf32>
    %eq3A_31 = arith.cmpf oeq, %broadcast_in_dim3A_21, %get3A_30 : vector<32x1xf32>
    %get3A_32 = arith.constant 0 : index
    %get3A_33 = arith.constant 0 : index
    %get3A_34 = vector.load %arg5[%get3A_32, %get3A_33] : memref<32x1xi32, #tpu.memory_space<vmem>>, vector<32x1xi32>
    %lt3A_35 = arith.cmpi slt, %broadcast_in_dim3A_24, %get3A_34 : vector<32x1xi32>
    %and3A = arith.andi %eq3A_31, %lt3A_35 : vector<32x1xi1>
    %or3A = arith.ori %gt3A, %and3A : vector<32x1xi1>
    %get3A_36 = arith.constant 0 : index
    %get3A_37 = arith.constant 0 : index
    %get3A_38 = vector.load %arg4[%get3A_36, %get3A_37] : memref<32x1xf32, #tpu.memory_space<vmem>>, vector<32x1xf32>
    %select_n3A_39 = arith.select %or3A, %broadcast_in_dim3A_21, %get3A_38 : vector<32x1xi1>, vector<32x1xf32>
    %swap3A = arith.constant 0 : index
    %swap3A_40 = arith.constant 0 : index
    %swap3A_41 = vector.load %arg4[%swap3A, %swap3A_40] : memref<32x1xf32, #tpu.memory_space<vmem>>, vector<32x1xf32>
    tpu.vector_store %arg4[%swap3A, %swap3A_40], %select_n3A_39 {strides = array<i32>} : memref<32x1xf32, #tpu.memory_space<vmem>>, vector<32x1xf32>,
    %get3A_42 = arith.constant 0 : index
    %get3A_43 = arith.constant 0 : index
    %get3A_44 = vector.load %arg5[%get3A_42, %get3A_43] : memref<32x1xi32, #tpu.memory_space<vmem>>, vector<32x1xi32>
    %select_n3A_45 = arith.select %or3A, %broadcast_in_dim3A_24, %get3A_44 : vector<32x1xi1>, vector<32x1xi32>
    %swap3A_46 = arith.constant 0 : index
    %swap3A_47 = arith.constant 0 : index
    %swap3A_48 = vector.load %arg5[%swap3A_46, %swap3A_47] : memref<32x1xi32, #tpu.memory_space<vmem>>, vector<32x1xi32>
    tpu.vector_store %arg5[%swap3A_46, %swap3A_47], %select_n3A_45 {strides = array<i32>} : memref<32x1xi32, #tpu.memory_space<vmem>>, vector<32x1xi32>,
    %get3A_49 = arith.constant 0 : index
    %get3A_50 = arith.constant 0 : index
    %get3A_51 = vector.load %arg5[%get3A_49, %get3A_50] : memref<32x1xi32, #tpu.memory_space<vmem>>, vector<32x1xi32>
    %swap3A_52 = arith.constant 0 : index
    %swap3A_53 = arith.constant 0 : index
    %swap3A_54 = vector.load %arg3[%swap3A_52, %swap3A_53] : memref<32x1xi32, #tpu.memory_space<vmem>>, vector<32x1xi32>
    tpu.vector_store %arg3[%swap3A_52, %swap3A_53], %get3A_51 {strides = array<i32>} : memref<32x1xi32, #tpu.memory_space<vmem>>, vector<32x1xi32>,
    return
  }
  func.func @transform_0(%arg0: i32) -> (i32, i32) {
    %c0_i32 = arith.constant 0 : i32
    %c0_i32_0 = arith.constant 0 : i32
    %c0_i32_1 = arith.constant 0 : i32
    return %c0_i32, %c0_i32_0 : i32, i32
  }
  func.func @transform_1(%arg0: i32) -> (i32, i32) {
    %c0_i32 = arith.constant 0 : i32
    %c0_i32_0 = arith.constant 0 : i32
    return %arg0, %c0_i32 : i32, i32
  }
  func.func @transform_2(%arg0: i32) -> (i32, i32) {
    %c0_i32 = arith.constant 0 : i32
    %c0_i32_0 = arith.constant 0 : i32
    %c0_i32_1 = arith.constant 0 : i32
    return %c0_i32, %c0_i32_0 : i32, i32
  }
}

</mosaic_0001>

<sc_bundles>
// kernel: gather_offload_async_start
scs
__scs_entry_jumppad:
0x0: {  	(pc) =	sbr.rel $0x88, $3  }
0x1: {  	(tag) =	ssettag $0x0;
	lr =	simm.s32 $0x1  }
0x2: {  	[smem:$0x3F9E] =	sst lr;
	_ =	strace $0xD0000000  }
0x3: {  	_ = 	snop  }
0x4: {  	_ = 	snop  }
0x5: {  	_ = 	snop  }
0x6: {  	_ = 	snop  }
0x7: {  	_ = 	snop  }
__scs_overlays_trampoline_lowered:
0x8: {  	[smem:$0x3FAD] =	sst s0  }
0x9: {  	[smem:$0x3FAE] =	sst s1  }
0xa: {  	[smem:$0x3FAF] =	sst s2  }
0xb: {  	[smem:$0x3FB0] =	sst s3  }
0xc: {  	[smem:$0x3FB1] =	sst s4  }
0xd: {  	[smem:$0x3FB2] =	sst s5  }
0xe: {  	[smem:$0x3FB3] =	sst s6  }
0xf: {  	[smem:$0x3FB4] =	sst s7  }
0x10: {  	[smem:$0x3FB5] =	sst s8  }
0x11: {  	[smem:$0x3FB6] =	sst s9;
	s0 =	simm.s32 @!p0 $0x0  }
0x12: {  	s1 =	sld [smem:$0x3F9C];
	s0 =	simm.s32 @p0 $0x1  }
0x13: {  	[smem:$0x3FB7] =	sst s0;
	s0 =	simm.s32 @!p1 $0x0  }
0x14: {  	s2 =	sld [smem:$0x3F9B];
	s0 =	simm.s32 @p1 $0x1  }
0x15: {  	[smem:$0x3FB8] =	sst s0;
	s0 =	simm.s32 @!p2 $0x0  }
0x16: {  	s3 =	sld [smem:$0x3FDB];
	s0 =	simm.s32 @p2 $0x1  }
0x17: {  	s4 =	simm.s32 $0x1BF5;
	[smem:$0x3FBA] =	sst s0  }
0x18: {  	s0 =	sld [smem:$0x3F9D];
	_ =	swait.ge [sflag:s4], $0x0  }
0x19: {  	s7 =	sld [smem:$0x3F9E]  }
0x1a: {  	s8 =	sadd.s32 $0xFFFFE003, lr  }
0x1b: {  	s9 =	sadd.s32 $0xFFFFFEF7, lr;
	s5 =	simm.s32 $0xFFFFFFFF;
	p2 =	slt.u32 s8, $0xFFFFF086  }
0x1c: {  	p1 =	slt.u32 s9, $0xF7A;
	s5 =	simm.s32 @!p2 $0x0  }
0x1d: {  	s5 =	simm.s32 @p1 $0x1;
	p0 =	seq.s32 s7, s2  }
0x1e: {  	s7 =	smul.u32 @!p0 $0xF7A, s2;
	p2 =	seq.s32 @!p0 s5, $0x0  }
0x1f: {  	s9 =	smul.u32 $0xF7A, s1;
	s8 =	simm.s32 @!p0 $0x1BF5;
	p2 =	por !p2, p0  }
0x20: {  	[sflag:s8] =	ssyncset.s32 @!p0 $0xFFFFF086;
	s6 =	sadd.s32 @!p0 s3, s7;
	s7 =	simm.s32 @!p0 $0x108  }
0x21: {  	s3 =	sadd.s32 s3, s9;
	s6 =	sadd.s32 @!p0 $0x88, s6;
	s7 =	simm.s32 @p2 $0x1082  }
0x22: {  	[simem:s7], [sflag:s8] =	dma.local @!p0 [hbm:s6], $0xF7A  }
0x23: {  	s9 =	sor.u32 $0xD0000000, s2;
	s6 =	simm.s32 $0x108;
	_ =	swait.ge @!p0 [sflag:s8], $0x0  }
0x24: {  	s3 =	sadd.s32 $0x88, s3;
	s6 =	simm.s32 @!p1 $0x1082;
	[sflag:s4] =	ssyncset.s32 $0xFFFFF086  }
0x25: {  	[simem:s6], [sflag:s4] =	dma.local [hbm:s3], $0xF7A  }
0x26: {  	[smem:$0x3F9E] =	sst s1;
	(tag) =	ssettag s2;
	_ =	strace s9  }
0x27: {  	s1 =	sld [smem:$0x3FAE]  }
0x28: {  	s2 =	sld [smem:$0x3FAF]  }
0x29: {  	s4 =	sld [smem:$0x3FB1]  }
0x2a: {  	p0 =	seq.s32 s5, $0x0;
	s5 =	sld [smem:$0x3FB2]  }
0x2b: {  	s6 =	sld [smem:$0x3FB3]  }
0x2c: {  	s7 =	sld [smem:$0x3FB4]  }
0x2d: {  	s3 =	simm.s32 $0x108;
	s8 =	sld [smem:$0x3FB5]  }
0x2e: {  	s3 =	simm.s32 @!p0 $0x1082;
	s9 =	sld [smem:$0x3FB6]  }
0x2f: {  	lr =	sadd.s32 s0, s3;
	s0 =	sld [smem:$0x3FAD]  }
0x30: {  	s3 =	sld [smem:$0x3FB0]  }
0x31: {  	[smem:$0x3FB9] =	sst s10  }
0x32: {  	s10 =	sld [smem:$0x3FB7];
	_ =	sdelay $0x3  }
0x33: {  	p0 =	seq.s32 s10, $0x1;
	s10 =	sld [smem:$0x3FB9];
	_ =	sdelay $0x3  }
0x34: {  	[smem:$0x3FB9] =	sst s10  }
0x35: {  	s10 =	sld [smem:$0x3FB8];
	_ =	sdelay $0x3  }
0x36: {  	p1 =	seq.s32 s10, $0x1;
	s10 =	sld [smem:$0x3FB9];
	_ =	sdelay $0x3  }
0x37: {  	[smem:$0x3FB9] =	sst s10  }
0x38: {  	s10 =	sld [smem:$0x3FBA]  }
0x39: {  	_ = 	snop;
	(pc) =	sbr.ind lr, $3  }
0x3a: {  	_ = 	snop  }
0x3b: {  	_ = 	snop  }
0x3c: {  	p2 =	seq.s32 s10, $0x1;
	s10 =	sld [smem:$0x3FB9]  }
0x3d: {  	_ =	shalt  }
0x3e: {  	_ =	shalt  }
0x3f: {  	_ =	shalt  }
0x40: {  	_ =	shalt  }
0x41: {  	_ =	shalt  }
0x42: {  	_ =	shalt  }
0x43: {  	_ =	shalt  }
0x44: {  	_ =	shalt  }
0x45: {  	_ =	shalt  }
0x46: {  	_ =	shalt  }
0x47: {  	_ =	shalt  }
0x48: {  	_ =	shalt  }
0x49: {  	_ =	shalt  }
0x4a: {  	_ =	shalt  }
0x4b: {  	_ =	shalt  }
0x4c: {  	_ =	shalt  }
0x4d: {  	_ =	shalt  }
0x4e: {  	_ =	shalt  }
0x4f: {  	_ =	shalt  }
0x50: {  	_ =	shalt  }
0x51: {  	_ =	shalt  }
0x52: {  	_ =	shalt  }
0x53: {  	_ =	shalt  }
0x54: {  	_ =	shalt  }
0x55: {  	_ =	shalt  }
0x56: {  	_ =	shalt  }
0x57: {  	_ =	shalt  }
0x58: {  	_ =	shalt  }
0x59: {  	_ =	shalt  }
0x5a: {  	_ =	shalt  }
0x5b: {  	_ =	shalt  }
0x5c: {  	_ =	shalt  }
0x5d: {  	_ =	shalt  }
0x5e: {  	_ =	shalt  }
0x5f: {  	_ =	shalt  }
0x60: {  	_ =	shalt  }
0x61: {  	_ =	shalt  }
0x62: {  	_ =	shalt  }
0x63: {  	_ =	shalt  }
0x64: {  	_ =	shalt  }
0x65: {  	_ =	shalt  }
0x66: {  	_ =	shalt  }
0x67: {  	_ =	shalt  }
0x68: {  	_ =	shalt  }
0x69: {  	_ =	shalt  }
0x6a: {  	_ =	shalt  }
0x6b: {  	_ =	shalt  }
0x6c: {  	_ =	shalt  }
0x6d: {  	_ =	shalt  }
0x6e: {  	_ =	shalt  }
0x6f: {  	_ =	shalt  }
0x70: {  	_ =	shalt  }
0x71: {  	_ =	shalt  }
0x72: {  	_ =	shalt  }
0x73: {  	_ =	shalt  }
0x74: {  	_ =	shalt  }
0x75: {  	_ =	shalt  }
0x76: {  	_ =	shalt  }
0x77: {  	_ =	shalt  }
0x78: {  	_ =	shalt  }
0x79: {  	_ =	shalt  }
0x7a: {  	_ =	shalt  }
0x7b: {  	_ =	shalt  }
0x7c: {  	_ =	shalt  }
0x7d: {  	_ =	shalt  }
0x7e: {  	_ =	shalt  }
0x7f: {  	_ =	shalt  }
0x80: {  	_ =	shalt  }
0x81: {  	_ =	shalt  }
0x82: {  	_ =	shalt  }
0x83: {  	_ =	shalt  }
0x84: {  	_ =	shalt  }
0x85: {  	_ =	shalt  }
0x86: {  	_ =	shalt  }
0x87: {  	_ =	shalt  }
.Lfunc_end0:
.L_simem_size_0:
called_computation_lowered:
.L_overlay_start_0:
0x88: {  	s2 =	sld [smem:$0x3FD9]  }
0x89: {  	s3 =	sld [smem:$0x3FFE];
	_ =	sdelay $0x1  }
0x8a: {  	s1 =	srdreg.scid  }
0x8b: {  	s0 =	sand.u32 $0x1, s1  }
0x8c: {  	s17 =	sshll.u32 s0, $0xA;
	s2 =	sadd.s32 s3, s2  }
0x8d: {  	s2 =	sadd.s32 s2, s17  }
0x8e: {  	[smem:$0x3FC5] =	sst s2  }
0x8f: {  	_ = 	snop  }
0x90: {  	s2 =	sld [smem:$0x3FC8];
	(tm) =	ssettm $0x1  }
0x91: {  	s18 =	sld [smem:$0x3FFB];
	_ =	sdelay $0x3  }
0x92: {  	_ =	strace s18  }
0x93: {  	s3 =	sld [smem:$0x3FFC];
	_ =	sdelay $0x3  }
0x94: {  	_ =	strace s3  }
0x95: {  	s3 =	sld [smem:$0x3FFD];
	_ =	sdelay $0x3  }
0x96: {  	_ =	strace s3  }
0x97: {  	_ =	strace $0x8FFFFFFF  }
0x98: {  	s19 =	sld [smem:$0x3FDB];
	_ =	sdelay $0x1  }
0x99: {  	s4 =	simm.s32 $_scs_section_size  }
0x9a: {  	s5 =	simm.s32 $_size__tile_overlayer_lowered;
	s6 =	simm.s32 $_tile_overlayer_lowered  }
0x9b: {  	s22 =	simm.s32 $0x1BFF;
	s21 =	sshll.u32 s6, $0x1;
	s3 =	sadd.s32 s4, s19  }
0x9c: {  	s7 =	simm.s32 $0x0;
	s20 =	sshll.u32 s5, $0x1;
	s5 =	sadd.s32 s21, s3  }
0x9d: {  	[timem:s7], [sflag:s22] =	dma.local [hbm:s5], s20  }
0x9e: {  	_ =	swait.ge [sflag:s22], s20  }
0x9f: {  	s4 =	ssub.s32 $0x0, s20;
	[sflag:s22] =	ssyncset.done $0x0  }
0xa0: {  	[sflag:s22] =	ssyncadd.s32 s4;
	_ =	sdelay $0x1  }
0xa1: {  	s23 =	simm.s32 $0x1B8B  }
0xa2: {  	_ =	swait.ge [sflag:s23], $0x1  }
0xa3: {  	[sflag:s23] =	ssyncset.done $0x0  }
0xa4: {  	s25 =	simm.s32 $0x1B8E;
	s24 =	sld [smem:$0x3FFE];
	[sflag:s23] =	ssyncadd.s32 $0xFFFFFFFF  }
0xa5: {  	s26 =	simm.s32 $execute0_lowered;
	[smem:$0x3FD2] =	sst s25  }
0xa6: {  	s5 =	sshll.u32 s26, $0x1;
	_ =	strace $0x80000046;
	[dreg:$0x1] =	wrdreg $0xFFFFFFFF  }
0xa7: {  	s28 =	simm.s32 $_size_execute0_lowered;
	s3 =	sadd.s32 s3, s5;
	[dreg:$0x0] =	wrdreg $0x0  }
0xa8: {  	s5 =	sshll.u32 s28, $0x1;
	[dreg:$0x2] =	wrdreg s3  }
0xa9: {  	[dreg:$0x3] =	wrdreg s5  }
0xaa: {  	[dreg:$0x4] =	wrdreg $0xC0  }
0xab: {  	_ =	task [dreg:s7], $0x5FFFF  }
0xac: {  	[dreg:$0x1] =	wrdreg $0xFFFFFFFF  }
0xad: {  	[dreg:$0x0] =	wrdreg $0x60  }
0xae: {  	[dreg:$0x2] =	wrdreg s2  }
0xaf: {  	[dreg:$0x3] =	wrdreg s24  }
0xb0: {  	[dreg:$0x4] =	wrdreg $0x9  }
0xb1: {  	_ =	task.clear_ibuf [dreg:s7], $0x5FFFF;
	_ =	strace $0x90000046  }
0xb2: {  	s29 =	simm.s32 $0x9;
	_ =	strace $0x80000048  }
0xb3: {  	_ =	swait.ge [sflag:s29], $0x1  }
0xb4: {  	[sflag:s29] =	ssyncadd.s32 $0xFFFFFFFF  }
0xb5: {  	_ =	strace $0x90000048  }
0xb6: {  	_ =	sfence  }
0xb7: {  	s30 =	sld [smem:$0x0];
	_ =	sdelay $0x2  }
0xb8: {  	s31 =	sshll.u32 s1, $0xD;
	s1 =	sshrl.u32 s1, $0x2  }
0xb9: {  	s3 =	sand.u32 $0x4000, s31;
	s1 =	sadd.s32 s1, s30  }
0xba: {  	s0 =	sor.u32 s3, s0;
	s1 =	sshll.u32 s1, $0x11  }
0xbb: {  	s0 =	sor.u32 s1, s0  }
0xbc: {  	s0 =	sadd.s32 $0x8F2B, s0  }
0xbd: {  	[sflag:s0] =	ssyncadd.remote.s32 $0x1  }
0xbe: {  	_ =	sfence.sel $0xFFFF  }
0xbf: {  	[dreg:$0x0] =	wrdreg $0xFFFFFFFF;
	(pc) =	sbr.abs _section_cstart, $3  }
0xc0: {  	[dreg:$0x1] =	wrdreg $0xFFFFFFFF  }
0xc1: {  	_ =	task.clear_ibuf [dreg:s7], $0x2FFFF;
	_ =	strace $0x9FFFFFFF  }
0xc2: {  	(tm) =	ssettm $0x7FFFFFFF  }
0xc3: {  	_ =	shalt  }
tec
execute0_lowered:
.L_overlay_start_1:
0x0: {  	(tag) =	ssettag $0x1  }
0x1: {  	s2 =	rddreg [dreg:$0x0]  }
0x2: {  	s3 =	rddreg [dreg:$0x1]  }
0x3: {  	s0 =	rddreg [dreg:$0x2];
	s1 =	srdreg.scid;
	_ =	strace $0x80000047  }
0x4: {  	s4 =	simm.s32 $0x1;
	s9 =	simm.s32 $0x3;
	s5 =	sshll.u32 s1, $0x4  }
.Ltmp0:
0x5: {  	s1 =	stileid.u32;
	s5 =	sand.u32 $0x10, s5;
	(pc) =	sbr.rel .LBB2_1-.Ltmp0, $4  }
0x6: {  	s11 =	simm.s32 $0x0;
	p0 =	por $0x0, $0x0;
	s6 =	sor.u32 s1, s5  }
0x7: {  	[sflag:s4] =	ssyncpa.u1 $0x0;
	s5 =	simm.s32 $0x2;
	s6 =	sshll.u32 s6, $0x9  }
0x8: {  	s7 =	sadd.s32 $0x800, s3;
	[sflag:s5] =	ssyncpa.u1 $0x0;
	s8 =	sadd.s32 $0x200, s6  }
0x9: {  	vm0 =	vmmov $0xff;
	vm1 =	vcmask $0x3F20;
	[sflag:s9] =	ssyncpa.u1 $0x0;
	s10 =	smov.u32 s6;
	s9 =	simm.s32 $0x0  }
.LBB2_7:
0xa: {  	p1 =	slt.u32 s9, $0x2;
	s11 =	sadd.s32 $0x100, s10  }
0xb: {  	s13 =	smov.u32 s6;
	s9 =	sadd.s32 $0x1, s9;
	p2 =	slt.s32 s11, s8  }
0xc: {  	s13 =	smov.u32 @p2 s11;
	p2 =	sne.s32 s9, $0x4  }
.Ltmp1:
0xd: {  	_ = 	snop;
	(pc) =	sbr.rel @!p2 .LBB2_8-.Ltmp1, $4  }
0xe: {  	s12 =	simm.s32 @!p1 $0x3  }
0xf: {  	_ =	swait.ge @!p1 [sflag:s12], $0x8000  }
0x10: {  	p0 =	por !p0, !p0;
	[sflag:s12] =	ssyncset.done @!p1 $0x0  }
0x11: {  	s11 =	smov.u32 s10;
	s10 =	smov.u32 s13;
	[sflag:s12] =	ssyncadd.s32 @!p1 $0xFFFF8000  }
.LBB2_1:
0x12: {  	p1 =	sgt.u32 s9, $0x1  }
0x13: {  	s12 =	sshll.u32 @!p1 s9, $0x8;
	s13 =	sshrl.u32 @!p1 s10, $0x3  }
0x14: {  	s14 =	sand.u32 @!p1 $0x7, s10;
	s12 =	sxor.u32 @!p1 $0x100, s12;
	s13 =	sadd.s32 @!p1 s3, s13  }
0x15: {  	[tilespmem:s12], [sflag:$0x2] =	stream.linear.gather @!p1 [hbm4b:s13+s14], $0x100, $0x38;
	[tilespmem:$0x10200] =	vst v63  }
0x16: {  	p1 =	seq.s32 s9, $0x0  }
0x17: {  	p2 =	seq.s32 @!p1 s9, $0x3  }
0x18: {  	p1 =	por p1, p2  }
.Ltmp2:
0x19: {  	_ = 	snop;
	(pc) =	sbr.rel @p1 .LBB2_7-.Ltmp2, $1  }
0x1a: {  	_ =	sdelay $0x3  }
0x1b: {  	s12 =	simm.s32 $0x1  }
0x1c: {  	_ =	swait.ge [sflag:s5], $0x100;
	s12 =	simm.s32 @!p0 $0x0  }
0x1d: {  	[sflag:s5] =	ssyncset.done $0x0;
	s14 =	sshll.u32 s12, $0x8  }
0x1e: {  	[sflag:s5] =	ssyncadd.s32 $0xFFFFFF00;
	s13 =	sadd.s32 $0x0, s14  }
0x1f: {  	v0 =	vld.msk [tilespmem:s13+$0x0 ss:$0x1], $0xffff;
	_ =	sdelay $0x4  }
0x20: {  	vm2 =	vgt.s32 v0, $0x0  }
0x21: {  	v0 =	vnsel vm2, $0x0, v0  }
0x22: {  	v0 =	vmin.u32 v0, $0xF423F  }
0x23: {  	v0 =	vshll.u32 v0, $0x4;
	_ =	sdelay $0x2  }
0x24: {  	s12 =	sshll.u32 s12, $0xF  }
0x25: {  	s12 =	sor.u32 $0x200, s12  }
0x26: {  	[tilespmem:s12], [sflag:$0x1] =	stream.indirect_vreg.gather [hbm:s2], $0x80, v0, vm0, $0x38;
	[tilespmem:$0x10200] =	vst v63  }
0x27: {  	s15 =	sadd.s32 $0x10, s14;
	s13 =	sadd.s32 $0x400, s12  }
0x28: {  	[tilespmem:s13], [sflag:$0x1] =	stream.indirect_vreg.gather [hbm:s2], $0x80, v0, vm1, $0x38;
	[tilespmem:$0x10200] =	vst v63  }
0x29: {  	s16 =	simm.s32 $0x80;
	v0 =	vld.msk [tilespmem:s15+$0x0 ss:$0x1], $0xffff;
	s15 =	smov.u32 s12  }
.LBB2_3:
0x2a: {  	p1 =	sne.s32 s16, $0x3C0;
	_ =	sdelay $0x4  }
0x2b: {  	vm2 =	vgt.s32 v0, $0x0  }
0x2c: {  	v0 =	vnsel vm2, $0x0, v0  }
0x2d: {  	v0 =	vmin.u32 v0, $0xF423F  }
0x2e: {  	v0 =	vshll.u32 v0, $0x4;
	_ =	sdelay $0x3  }
.Ltmp3:
0x2f: {  	s17 =	sshra.s32 s16, $0x2;
	s15 =	sadd.s32 $0x800, s15;
	(pc) =	sbr.rel @p1 .LBB2_3-.Ltmp3, $4  }
0x30: {  	[tilespmem:s15], [sflag:$0x1] =	stream.indirect_vreg.gather [hbm:s2], $0x80, v0, vm0, $0x38;
	[tilespmem:$0x10200] =	vst v63  }
0x31: {  	s17 =	sadd.s32 s17, s14;
	s18 =	sadd.s32 $0x400, s15  }
0x32: {  	[tilespmem:s18], [sflag:$0x1] =	stream.indirect_vreg.gather [hbm:s2], $0x80, v0, vm1, $0x38;
	[tilespmem:$0x10200] =	vst v63  }
0x33: {  	s16 =	sadd.s32 $0x40, s16;
	v0 =	vld.msk [tilespmem:s17+$0x0 ss:$0x1], $0xffff  }
0x34: {  	_ =	sdelay $0x3  }
0x35: {  	vm2 =	vgt.s32 v0, $0x0  }
0x36: {  	v0 =	vnsel vm2, $0x0, v0  }
0x37: {  	v0 =	vmin.u32 v0, $0xF423F  }
0x38: {  	v0 =	vshll.u32 v0, $0x4;
	_ =	sdelay $0x3  }
0x39: {  	s14 =	sadd.s32 $0x800, s15  }
0x3a: {  	[tilespmem:s14], [sflag:$0x1] =	stream.indirect_vreg.gather [hbm:s2], $0x80, v0, vm0, $0x38;
	[tilespmem:$0x10200] =	vst v63  }
0x3b: {  	s14 =	sadd.s32 $0x400, s14  }
0x3c: {  	[tilespmem:s14], [sflag:$0x1] =	stream.indirect_vreg.gather [hbm:s2], $0x80, v0, vm1, $0x38;
	[tilespmem:$0x10200] =	vst v63  }
0x3d: {  	s11 =	sshll.u32 s11, $0x4;
	_ =	swait.ge [sflag:s4], $0x8000  }
0x3e: {  	s11 =	sadd.s32 s11, s7;
	[sflag:s4] =	ssyncset.done $0x0  }
0x3f: {  	s15 =	sadd.s32 $0x0, s11;
	s14 =	simm.s32 $0x80;
	[sflag:s4] =	ssyncadd.s32 $0xFFFF8000  }
.LBB2_5:
0x40: {  	[hbm:s15] =	stream.linear.scatter [tilespmem:s12], [sflag:$0x3], $0x400, $0x38;
	[tilespmem:$0x10200] =	vst v63  }
0x41: {  	s15 =	smov.u32 s14;
	s12 =	smov.u32 s13;
	p1 =	sne.s32 s14, $0xF80  }
.Ltmp4:
0x42: {  	s14 =	sadd.s32 $0x80, s14;
	(pc) =	sbr.rel @p1 .LBB2_5-.Ltmp4, $2  }
0x43: {  	_ =	sdelay $0x2  }
0x44: {  	s13 =	sadd.s32 $0x400, s13;
	s15 =	sadd.s32 s15, s11  }
.Ltmp5:
0x45: {  	(pc) =	sbr.rel .LBB2_7-.Ltmp5, $2  }
0x46: {  	_ =	sdelay $0x2  }
0x47: {  	[hbm:s15] =	stream.linear.scatter [tilespmem:s12], [sflag:$0x3], $0x400, $0x38;
	[tilespmem:$0x10200] =	vst v63  }
.LBB2_8:
0x48: {  	_ =	sfence.sel $0x180000  }
0x49: {  	s2 =	simm.s32 $0x2;
	[bflag:$0x0] =	sbarrier.arrive $0xFFFF  }
0x4a: {  	s30 =	simm.s32 $0x3;
	[sflag:s2] =	ssyncpa.u1 $0x1  }
0x4b: {  	s31 =	simm.s32 $0x1;
	[sflag:s30] =	ssyncpa.u1 $0x1  }
0x4c: {  	[sflag:s31] =	ssyncpa.u1 $0x1  }
0x4d: {  	p0 =	sne.s32 s1, $0x0;
	_ =	strace $0x90000047  }
0x4e: {  	s0 =	sadd.s32 @!p0 $0x100000, s0;
	[bflag:$0x2] =	sbarrier.arrive $0xFFFF  }
0x4f: {  	[sflag:s0] =	ssyncadd.tile.s32 @!p0 $0x1;
	_ =	shalt  }
.Lfunc_end2:
_tile_overlayer_lowered:
.L_overlay_start_2:
0x50: {  	(tag) =	ssettag $0x2  }
0x51: {  	s0 =	rddreg [dreg:$0x0];
	s2 =	stileid.u32  }
0x52: {  	s1 =	rddreg [dreg:$0x1];
	p0 =	sne.s32 s2, $0x0  }
0x53: {  	s3 =	rddreg [dreg:$0x2];
	[bflag:$0x3] =	sbarrier.arrive $0xFFFF;
	s2 =	simm.s32 @!p0 $0x1C01  }
0x54: {  	[timem:s3], [sflag:s2] =	dma.local @!p0 [hbm:s0], s1  }
0x55: {  	s0 =	simm.s32 @!p0 $0x1  }
0x56: {  	_ =	swait.ge @!p0 [sflag:s0], s1  }
0x57: {  	s1 =	ssub.s32 @!p0 $0x0, s1;
	[sflag:s0] =	ssyncset.done @!p0 $0x0  }
0x58: {  	[sflag:s0] =	ssyncadd.s32 @!p0 s1  }
0x59: {  	[bflag:$0x3] =	sbarrier.arrive $0xFFFF  }
0x5a: {  	_ =	shalt  }

// kernel: kernel.5.cloned.1.call-start
scs
__scs_entry_jumppad:
0x0: {  	(pc) =	sbr.rel $0x88, $3  }
0x1: {  	(tag) =	ssettag $0x0;
	lr =	simm.s32 $0x1  }
0x2: {  	[smem:$0x3F9E] =	sst lr;
	_ =	strace $0xD0000000  }
0x3: {  	_ = 	snop  }
0x4: {  	_ = 	snop  }
0x5: {  	_ = 	snop  }
0x6: {  	_ = 	snop  }
0x7: {  	_ = 	snop  }
__scs_overlays_trampoline_lowered:
0x8: {  	[smem:$0x3FAD] =	sst s0  }
0x9: {  	[smem:$0x3FAE] =	sst s1  }
0xa: {  	[smem:$0x3FAF] =	sst s2  }
0xb: {  	[smem:$0x3FB0] =	sst s3  }
0xc: {  	[smem:$0x3FB1] =	sst s4  }
0xd: {  	[smem:$0x3FB2] =	sst s5  }
0xe: {  	[smem:$0x3FB3] =	sst s6  }
0xf: {  	[smem:$0x3FB4] =	sst s7  }
0x10: {  	[smem:$0x3FB5] =	sst s8  }
0x11: {  	[smem:$0x3FB6] =	sst s9;
	s0 =	simm.s32 @!p0 $0x0  }
0x12: {  	s1 =	sld [smem:$0x3F9C];
	s0 =	simm.s32 @p0 $0x1  }
0x13: {  	[smem:$0x3FB7] =	sst s0;
	s0 =	simm.s32 @!p1 $0x0  }
0x14: {  	s2 =	sld [smem:$0x3F9B];
	s0 =	simm.s32 @p1 $0x1  }
0x15: {  	[smem:$0x3FB8] =	sst s0;
	s0 =	simm.s32 @!p2 $0x0  }
0x16: {  	s3 =	sld [smem:$0x3FDB];
	s0 =	simm.s32 @p2 $0x1  }
0x17: {  	s4 =	simm.s32 $0x1BF5;
	[smem:$0x3FBA] =	sst s0  }
0x18: {  	s0 =	sld [smem:$0x3F9D];
	_ =	swait.ge [sflag:s4], $0x0  }
0x19: {  	s7 =	sld [smem:$0x3F9E]  }
0x1a: {  	s8 =	sadd.s32 $0xFFFFE003, lr  }
0x1b: {  	s9 =	sadd.s32 $0xFFFFFEF7, lr;
	s5 =	simm.s32 $0xFFFFFFFF;
	p2 =	slt.u32 s8, $0xFFFFF086  }
0x1c: {  	p1 =	slt.u32 s9, $0xF7A;
	s5 =	simm.s32 @!p2 $0x0  }
0x1d: {  	s5 =	simm.s32 @p1 $0x1;
	p0 =	seq.s32 s7, s2  }
0x1e: {  	s7 =	smul.u32 @!p0 $0xF7A, s2;
	p2 =	seq.s32 @!p0 s5, $0x0  }
0x1f: {  	s9 =	smul.u32 $0xF7A, s1;
	s8 =	simm.s32 @!p0 $0x1BF5;
	p2 =	por !p2, p0  }
0x20: {  	[sflag:s8] =	ssyncset.s32 @!p0 $0xFFFFF086;
	s6 =	sadd.s32 @!p0 s3, s7;
	s7 =	simm.s32 @!p0 $0x108  }
0x21: {  	s3 =	sadd.s32 s3, s9;
	s6 =	sadd.s32 @!p0 $0x88, s6;
	s7 =	simm.s32 @p2 $0x1082  }
0x22: {  	[simem:s7], [sflag:s8] =	dma.local @!p0 [hbm:s6], $0xF7A  }
0x23: {  	s9 =	sor.u32 $0xD0000000, s2;
	s6 =	simm.s32 $0x108;
	_ =	swait.ge @!p0 [sflag:s8], $0x0  }
0x24: {  	s3 =	sadd.s32 $0x88, s3;
	s6 =	simm.s32 @!p1 $0x1082;
	[sflag:s4] =	ssyncset.s32 $0xFFFFF086  }
0x25: {  	[simem:s6], [sflag:s4] =	dma.local [hbm:s3], $0xF7A  }
0x26: {  	[smem:$0x3F9E] =	sst s1;
	(tag) =	ssettag s2;
	_ =	strace s9  }
0x27: {  	s1 =	sld [smem:$0x3FAE]  }
0x28: {  	s2 =	sld [smem:$0x3FAF]  }
0x29: {  	s4 =	sld [smem:$0x3FB1]  }
0x2a: {  	p0 =	seq.s32 s5, $0x0;
	s5 =	sld [smem:$0x3FB2]  }
0x2b: {  	s6 =	sld [smem:$0x3FB3]  }
0x2c: {  	s7 =	sld [smem:$0x3FB4]  }
0x2d: {  	s3 =	simm.s32 $0x108;
	s8 =	sld [smem:$0x3FB5]  }
0x2e: {  	s3 =	simm.s32 @!p0 $0x1082;
	s9 =	sld [smem:$0x3FB6]  }
0x2f: {  	lr =	sadd.s32 s0, s3;
	s0 =	sld [smem:$0x3FAD]  }
0x30: {  	s3 =	sld [smem:$0x3FB0]  }
0x31: {  	[smem:$0x3FB9] =	sst s10  }
0x32: {  	s10 =	sld [smem:$0x3FB7];
	_ =	sdelay $0x3  }
0x33: {  	p0 =	seq.s32 s10, $0x1;
	s10 =	sld [smem:$0x3FB9];
	_ =	sdelay $0x3  }
0x34: {  	[smem:$0x3FB9] =	sst s10  }
0x35: {  	s10 =	sld [smem:$0x3FB8];
	_ =	sdelay $0x3  }
0x36: {  	p1 =	seq.s32 s10, $0x1;
	s10 =	sld [smem:$0x3FB9];
	_ =	sdelay $0x3  }
0x37: {  	[smem:$0x3FB9] =	sst s10  }
0x38: {  	s10 =	sld [smem:$0x3FBA]  }
0x39: {  	_ = 	snop;
	(pc) =	sbr.ind lr, $3  }
0x3a: {  	_ = 	snop  }
0x3b: {  	_ = 	snop  }
0x3c: {  	p2 =	seq.s32 s10, $0x1;
	s10 =	sld [smem:$0x3FB9]  }
0x3d: {  	_ =	shalt  }
0x3e: {  	_ =	shalt  }
0x3f: {  	_ =	shalt  }
0x40: {  	_ =	shalt  }
0x41: {  	_ =	shalt  }
0x42: {  	_ =	shalt  }
0x43: {  	_ =	shalt  }
0x44: {  	_ =	shalt  }
0x45: {  	_ =	shalt  }
0x46: {  	_ =	shalt  }
0x47: {  	_ =	shalt  }
0x48: {  	_ =	shalt  }
0x49: {  	_ =	shalt  }
0x4a: {  	_ =	shalt  }
0x4b: {  	_ =	shalt  }
0x4c: {  	_ =	shalt  }
0x4d: {  	_ =	shalt  }
0x4e: {  	_ =	shalt  }
0x4f: {  	_ =	shalt  }
0x50: {  	_ =	shalt  }
0x51: {  	_ =	shalt  }
0x52: {  	_ =	shalt  }
0x53: {  	_ =	shalt  }
0x54: {  	_ =	shalt  }
0x55: {  	_ =	shalt  }
0x56: {  	_ =	shalt  }
0x57: {  	_ =	shalt  }
0x58: {  	_ =	shalt  }
0x59: {  	_ =	shalt  }
0x5a: {  	_ =	shalt  }
0x5b: {  	_ =	shalt  }
0x5c: {  	_ =	shalt  }
0x5d: {  	_ =	shalt  }
0x5e: {  	_ =	shalt  }
0x5f: {  	_ =	shalt  }
0x60: {  	_ =	shalt  }
0x61: {  	_ =	shalt  }
0x62: {  	_ =	shalt  }
0x63: {  	_ =	shalt  }
0x64: {  	_ =	shalt  }
0x65: {  	_ =	shalt  }
0x66: {  	_ =	shalt  }
0x67: {  	_ =	shalt  }
0x68: {  	_ =	shalt  }
0x69: {  	_ =	shalt  }
0x6a: {  	_ =	shalt  }
0x6b: {  	_ =	shalt  }
0x6c: {  	_ =	shalt  }
0x6d: {  	_ =	shalt  }
0x6e: {  	_ =	shalt  }
0x6f: {  	_ =	shalt  }
0x70: {  	_ =	shalt  }
0x71: {  	_ =	shalt  }
0x72: {  	_ =	shalt  }
0x73: {  	_ =	shalt  }
0x74: {  	_ =	shalt  }
0x75: {  	_ =	shalt  }
0x76: {  	_ =	shalt  }
0x77: {  	_ =	shalt  }
0x78: {  	_ =	shalt  }
0x79: {  	_ =	shalt  }
0x7a: {  	_ =	shalt  }
0x7b: {  	_ =	shalt  }
0x7c: {  	_ =	shalt  }
0x7d: {  	_ =	shalt  }
0x7e: {  	_ =	shalt  }
0x7f: {  	_ =	shalt  }
0x80: {  	_ =	shalt  }
0x81: {  	_ =	shalt  }
0x82: {  	_ =	shalt  }
0x83: {  	_ =	shalt  }
0x84: {  	_ =	shalt  }
0x85: {  	_ =	shalt  }
0x86: {  	_ =	shalt  }
0x87: {  	_ =	shalt  }
.Lfunc_end0:
.L_simem_size_0:
called_computation.1_lowered:
.L_overlay_start_0:
0x88: {  	s2 =	sld [smem:$0x3FD9]  }
0x89: {  	s3 =	sld [smem:$0x3FFE];
	_ =	sdelay $0x1  }
0x8a: {  	s1 =	srdreg.scid  }
0x8b: {  	s0 =	sand.u32 $0x1, s1  }
0x8c: {  	s17 =	sshll.u32 s0, $0xA;
	s2 =	sadd.s32 s3, s2  }
0x8d: {  	s2 =	sadd.s32 s2, s17  }
0x8e: {  	[smem:$0x3FC5] =	sst s2  }
0x8f: {  	_ = 	snop  }
0x90: {  	s2 =	sld [smem:$0x3FC7]  }
0x91: {  	s18 =	sld [smem:$0x3FD0];
	(tm) =	ssettm $0x1  }
0x92: {  	s4 =	sld [smem:$0x3FFB];
	_ =	sdelay $0x3  }
0x93: {  	_ =	strace s4  }
0x94: {  	s4 =	sld [smem:$0x3FFC];
	_ =	sdelay $0x3  }
0x95: {  	_ =	strace s4  }
0x96: {  	s4 =	sld [smem:$0x3FFD];
	_ =	sdelay $0x3  }
0x97: {  	_ =	strace s4  }
0x98: {  	_ =	strace $0x8FFFFFFF  }
0x99: {  	s19 =	sld [smem:$0x3FDB];
	_ =	sdelay $0x1  }
0x9a: {  	s5 =	simm.s32 $_scs_section_size  }
0x9b: {  	s6 =	simm.s32 $_size__tile_overlayer_lowered;
	s7 =	simm.s32 $_tile_overlayer_lowered  }
0x9c: {  	s22 =	simm.s32 $0x1BFF;
	s21 =	sshll.u32 s7, $0x1;
	s4 =	sadd.s32 s5, s19  }
0x9d: {  	s8 =	simm.s32 $0x0;
	s20 =	sshll.u32 s6, $0x1;
	s6 =	sadd.s32 s21, s4  }
0x9e: {  	[timem:s8], [sflag:s22] =	dma.local [hbm:s6], s20  }
0x9f: {  	_ =	swait.ge [sflag:s22], s20  }
0xa0: {  	s5 =	ssub.s32 $0x0, s20;
	[sflag:s22] =	ssyncset.done $0x0  }
0xa1: {  	[sflag:s22] =	ssyncadd.s32 s5;
	_ =	sdelay $0x1  }
0xa2: {  	s23 =	simm.s32 $0x1B8B  }
0xa3: {  	_ =	swait.ge [sflag:s23], $0x1  }
0xa4: {  	[sflag:s23] =	ssyncset.done $0x0  }
0xa5: {  	s25 =	simm.s32 $0x1B8E;
	s24 =	sld [smem:$0x3FFE];
	[sflag:s23] =	ssyncadd.s32 $0xFFFFFFFF  }
0xa6: {  	s26 =	simm.s32 $execute0_lowered;
	[smem:$0x3FD2] =	sst s25  }
0xa7: {  	s6 =	sshll.u32 s26, $0x1;
	_ =	strace $0x80000049;
	[dreg:$0x1] =	wrdreg $0xFFFFFFFF  }
0xa8: {  	s28 =	simm.s32 $_size_execute0_lowered;
	s4 =	sadd.s32 s4, s6;
	[dreg:$0x0] =	wrdreg $0x0  }
0xa9: {  	s6 =	sshll.u32 s28, $0x1;
	[dreg:$0x2] =	wrdreg s4  }
0xaa: {  	[dreg:$0x3] =	wrdreg s6  }
0xab: {  	[dreg:$0x4] =	wrdreg $0xC0  }
0xac: {  	_ =	task [dreg:s8], $0x5FFFF  }
0xad: {  	[dreg:$0x1] =	wrdreg $0xFFFFFFFF  }
0xae: {  	[dreg:$0x0] =	wrdreg $0x60  }
0xaf: {  	[dreg:$0x2] =	wrdreg s2  }
0xb0: {  	[dreg:$0x3] =	wrdreg s24  }
0xb1: {  	[dreg:$0x4] =	wrdreg s18  }
0xb2: {  	[dreg:$0x5] =	wrdreg $0x9  }
0xb3: {  	_ =	task.clear_ibuf [dreg:s8], $0x6FFFF;
	_ =	strace $0x90000049  }
0xb4: {  	s29 =	simm.s32 $0x9;
	_ =	strace $0x8000004B  }
0xb5: {  	_ =	swait.ge [sflag:s29], $0x1  }
0xb6: {  	[sflag:s29] =	ssyncadd.s32 $0xFFFFFFFF  }
0xb7: {  	_ =	strace $0x9000004B  }
0xb8: {  	_ =	sfence  }
0xb9: {  	s30 =	sld [smem:$0x0];
	_ =	sdelay $0x2  }
0xba: {  	s31 =	sshll.u32 s1, $0xD;
	s1 =	sshrl.u32 s1, $0x2  }
0xbb: {  	s3 =	sand.u32 $0x4000, s31;
	s1 =	sadd.s32 s1, s30  }
0xbc: {  	s0 =	sor.u32 s3, s0;
	s1 =	sshll.u32 s1, $0x11  }
0xbd: {  	s0 =	sor.u32 s1, s0  }
0xbe: {  	s0 =	sadd.s32 $0x8F2B, s0  }
0xbf: {  	[sflag:s0] =	ssyncadd.remote.s32 $0x1  }
0xc0: {  	_ =	sfence.sel $0xFFFF  }
0xc1: {  	[dreg:$0x0] =	wrdreg $0xFFFFFFFF;
	(pc) =	sbr.abs _section_cstart, $3  }
0xc2: {  	[dreg:$0x1] =	wrdreg $0xFFFFFFFF  }
0xc3: {  	_ =	task.clear_ibuf [dreg:s8], $0x2FFFF;
	_ =	strace $0x9FFFFFFF  }
0xc4: {  	(tm) =	ssettm $0x7FFFFFFF  }
0xc5: {  	_ =	shalt  }
tec
execute0_lowered:
.L_overlay_start_1:
0x0: {  	(tag) =	ssettag $0x1  }
0x1: {  	s0 =	srdreg.scid  }
0x2: {  	s10 =	sand.u32 $0x1, s0;
	s0 =	stileid.u32  }
0x3: {  	s5 =	sor.u32 s0, s10  }
0x4: {  	p0 =	sne.s32 s5, $0x0  }
.Ltmp0:
0x5: {  	_ = 	snop;
	(pc) =	sbr.rel @p0 .LBB2_4-.Ltmp0, $4  }
0x6: {  	s2 =	rddreg [dreg:$0x0]  }
0x7: {  	s3 =	rddreg [dreg:$0x1]  }
0x8: {  	s4 =	rddreg [dreg:$0x2]  }
0x9: {  	s1 =	rddreg [dreg:$0x3];
	_ =	strace $0x8000004A  }
0xa: {  	s6 =	simm.s32 $0x0;
	s5 =	simm.s32 $0x2  }
0xb: {  	[tilespmem:s6], [sflag:$0x2] =	stream.linear.gather [hbm4b:s3+s6], $0x80, $0x38;
	[tilespmem:$0x100] =	vst v63  }
0xc: {  	s7 =	simm.s32 $0x20;
	s10 =	ssub.s32 $0x2, s10;
	_ =	swait.ge [sflag:s5], $0x80  }
0xd: {  	s8 =	simm.s32 $0x80;
	s11 =	sshrl.u32 s10, $0x1;
	[sflag:s5] =	ssyncset.done $0x0  }
0xe: {  	s9 =	simm.s32 $0x1;
	s10 =	ssub.s32 s10, s11;
	[sflag:s5] =	ssyncadd.s32 $0xFFFFFF80  }
0xf: {  	[tilespmem:s8], [sflag:$0x1] =	stream.indirect.gather [hbm4b:s2+s7], $0x1, s6, s7, $0xb8;
	[tilespmem:$0x100] =	vst v63  }
0x10: {  	p0 =	sne.s32 s10, $0x1;
	_ =	swait.ge [sflag:s9], $0x20  }
.Ltmp1:
0x11: {  	[sflag:s9] =	ssyncset.done $0x0;
	(pc) =	sbr.rel @!p0 .LBB2_3-.Ltmp1, $4  }
0x12: {  	[sflag:s9] =	ssyncadd.s32 $0xFFFFFFE0  }
0x13: {  	[hbm4b:s4+s6] =	stream.linear.scatter [tilespmem:s8], [sflag:$0x2], $0x80, $0x38;
	[tilespmem:$0x100] =	vst v63  }
0x14: {  	_ =	swait.ge [sflag:s5], $0x80  }
0x15: {  	s10 =	sadd.s32 $0xFFFFFFFF, s10;
	[sflag:s5] =	ssyncset.done $0x0  }
.LBB2_2:
0x16: {  	p0 =	sne.s32 s10, $0x1;
	s10 =	sadd.s32 $0xFFFFFFFF, s10;
	[sflag:s5] =	ssyncadd.s32 $0xFFFFFF80  }
0x17: {  	[tilespmem:s6], [sflag:$0x2] =	stream.linear.gather [hbm4b:s3+s6], $0x80, $0x38;
	[tilespmem:$0x100] =	vst v63  }
0x18: {  	_ =	swait.ge [sflag:s5], $0x80  }
0x19: {  	[sflag:s5] =	ssyncset.done $0x0  }
0x1a: {  	[sflag:s5] =	ssyncadd.s32 $0xFFFFFF80  }
0x1b: {  	[tilespmem:s8], [sflag:$0x1] =	stream.indirect.gather [hbm4b:s2+s7], $0x1, s6, s7, $0xb8;
	[tilespmem:$0x100] =	vst v63  }
0x1c: {  	_ =	swait.ge [sflag:s9], $0x20  }
.Ltmp2:
0x1d: {  	[sflag:s9] =	ssyncset.done $0x0;
	(pc) =	sbr.rel @p0 .LBB2_2-.Ltmp2, $4  }
0x1e: {  	[sflag:s9] =	ssyncadd.s32 $0xFFFFFFE0  }
0x1f: {  	[hbm4b:s4+s6] =	stream.linear.scatter [tilespmem:s8], [sflag:$0x2], $0x80, $0x38;
	[tilespmem:$0x100] =	vst v63  }
0x20: {  	_ =	swait.ge [sflag:s5], $0x80  }
0x21: {  	[sflag:s5] =	ssyncset.done $0x0  }
.LBB2_3:
0x22: {  	[sflag:s5] =	ssyncadd.s32 $0xFFFFFF80  }
.LBB2_4:
0x23: {  	_ =	sfence.sel $0x180000  }
0x24: {  	[bflag:$0x0] =	sbarrier.arrive $0xFFFF  }
0x25: {  	p0 =	sne.s32 s0, $0x0;
	_ =	strace $0x9000004A  }
0x26: {  	s0 =	sadd.s32 @!p0 $0x100000, s1;
	[bflag:$0x2] =	sbarrier.arrive $0xFFFF  }
0x27: {  	[sflag:s0] =	ssyncadd.tile.s32 @!p0 $0x1;
	_ =	shalt  }
.Lfunc_end2:
_tile_overlayer_lowered:
.L_overlay_start_2:
0x28: {  	(tag) =	ssettag $0x2  }
0x29: {  	s0 =	rddreg [dreg:$0x0];
	s2 =	stileid.u32  }
0x2a: {  	s1 =	rddreg [dreg:$0x1];
	p0 =	sne.s32 s2, $0x0  }
0x2b: {  	s3 =	rddreg [dreg:$0x2];
	[bflag:$0x3] =	sbarrier.arrive $0xFFFF;
	s2 =	simm.s32 @!p0 $0x1C02  }
0x2c: {  	[timem:s3], [sflag:s2] =	dma.local @!p0 [hbm:s0], s1  }
0x2d: {  	s0 =	simm.s32 @!p0 $0x2  }
0x2e: {  	_ =	swait.ge @!p0 [sflag:s0], s1  }
0x2f: {  	s1 =	ssub.s32 @!p0 $0x0, s1;
	[sflag:s0] =	ssyncset.done @!p0 $0x0  }
0x30: {  	[sflag:s0] =	ssyncadd.s32 @!p0 s1  }
0x31: {  	[bflag:$0x3] =	sbarrier.arrive $0xFFFF  }
0x32: {  	_ =	shalt  }

</sc_bundles>
